<compile_context>
chip_gen: v7x
topology: tpu7x:2x2x1
jax: 0.10.2.dev20260603
libtpu: 0.0.44.dev20260713+nightly
codegen_flags: <defaults>
</compile_context>

<pallas_src>
import jax
import jax.numpy as jnp
from jax import lax
from jax.experimental import pallas as pl
from jax.experimental.pallas import tpu as pltpu

_CONF_THRES = 0.25
_IOU_THRES = 0.45
_MAX_DET = 300
_MAX_WH = 4096.0
_B, _N, _NC = 4, 20000, 80

_K = 4096
_C = 128
_NCH = _K // _C
_P = 384
_TN = 2000
_NT = _N // _TN


def _prep_body(xywh_ref, obj_ref, cls_ref, out_ref):
    xywh = xywh_ref[0]
    obj = obj_ref[0]
    cls = cls_ref[0]
    cs = cls * obj
    mx = jnp.max(cs, axis=1, keepdims=True)
    lane = lax.broadcasted_iota(jnp.int32, cs.shape, 1).astype(jnp.float32)
    jf = jnp.min(jnp.where(cs >= mx, lane, float(_NC)), axis=1, keepdims=True)
    cx = xywh[:, 0:1]
    cy = xywh[:, 1:2]
    w = xywh[:, 2:3]
    h = xywh[:, 3:4]
    x1 = cx - w / 2.0
    y1 = cy - h / 2.0
    x2 = cx + w / 2.0
    y2 = cy + h / 2.0
    valid = (obj > _CONF_THRES) & (mx > _CONF_THRES)
    validf = valid.astype(jnp.float32)
    zero = jnp.zeros_like(cx)
    out_ref[0] = jnp.concatenate(
        [x1, y1, x2, y2, mx, jf, validf, zero], axis=1)


def _nms_body(rows_ref, out_ref, keep_ref, obox_ref):
    rows = rows_ref[0]
    f32 = jnp.float32
    off = rows[:, 5:6] * _MAX_WH
    ox1 = rows[:, 0:1] + off
    oy1 = rows[:, 1:2] + off
    ox2 = rows[:, 2:3] + off
    oy2 = rows[:, 3:4] + off
    area = (ox2 - ox1) * (oy2 - oy1)
    zcol = jnp.zeros_like(area)
    obox_ref[...] = jnp.concatenate(
        [ox1, oy1, ox2, oy2, area, zcol, zcol, zcol], axis=1)

    keep_ref[...] = rows[:, 6:7]
    out_ref[0] = jnp.zeros((_P, 8), f32)

    sub_c = lax.broadcasted_iota(jnp.int32, (_C, _C), 0)
    lane_c = lax.broadcasted_iota(jnp.int32, (_C, _C), 1)
    eye = (sub_c == lane_c).astype(f32)
    tri = (lane_c < sub_c).astype(f32)
    cum_u = (sub_c <= lane_c).astype(f32)
    sub_k = lax.broadcasted_iota(jnp.int32, (_K, 1), 0)
    lane_p = lax.broadcasted_iota(jnp.int32, (1, _P), 1).astype(f32)

    def col2row(c):
        return jnp.sum(eye * c, axis=0, keepdims=True)

    def row2col(r):
        return jnp.sum(eye * r, axis=1, keepdims=True)

    def chunk(c, base):
        s = pl.multiple_of(c * _C, _C)
        oc = obox_ref[pl.ds(s, _C), :]
        ox1c = oc[:, 0:1]
        oy1c = oc[:, 1:2]
        ox2c = oc[:, 2:3]
        oy2c = oc[:, 3:4]
        areac = oc[:, 4:5]
        ox1i = col2row(ox1c)
        oy1i = col2row(oy1c)
        ox2i = col2row(ox2c)
        oy2i = col2row(oy2c)
        areai = col2row(areac)

        ltx = jnp.maximum(ox1c, ox1i)
        lty = jnp.maximum(oy1c, oy1i)
        rbx = jnp.minimum(ox2c, ox2i)
        rby = jnp.minimum(oy2c, oy2i)
        wx = jnp.clip(rbx - ltx, 0.0)
        wy = jnp.clip(rby - lty, 0.0)
        inter = wx * wy
        iou = inter / (areac + areai - inter + 1e-9)
        sup_mat = (iou > _IOU_THRES).astype(f32) * tri

        alive_col = keep_ref[pl.ds(s, _C), :]
        alive_row = col2row(alive_col)

        def fp_cond(st):
            return st[2]

        def fp_body(st):
            k_col, k_row, _ = st
            sup = jnp.max(sup_mat * k_row, axis=1, keepdims=True)
            kn_col = alive_col * (1.0 - sup)
            kn_row = col2row(kn_col)
            return kn_col, kn_row, jnp.any(kn_col != k_col)

        k_col, k_row, _ = lax.while_loop(
            fp_cond, fp_body, (alive_col, alive_row, jnp.bool_(True)))

        keep_ref[pl.ds(s, _C), :] = k_col

        tltx = jnp.maximum(ox1, ox1i)
        tlty = jnp.maximum(oy1, oy1i)
        trbx = jnp.minimum(ox2, ox2i)
        trby = jnp.minimum(oy2, oy2i)
        twx = jnp.clip(trbx - tltx, 0.0)
        twy = jnp.clip(trby - tlty, 0.0)
        tinter = twx * twy
        tiou = tinter / (area + areai - tinter + 1e-9)
        supf = jnp.max((tiou > _IOU_THRES).astype(f32) * k_row,
                       axis=1, keepdims=True)
        tailm = (sub_k >= s + _C).astype(f32)
        keep_all = keep_ref[...]
        keep_ref[...] = keep_all * (1.0 - supf * tailm)

        cum = jnp.dot(k_row, cum_u, preferred_element_type=f32)
        rank_col = row2col(base + cum - 1.0)
        onehot = jnp.where(rank_col == lane_p, 1.0, 0.0) * k_col
        det = rows_ref[0, pl.ds(s, _C), :]
        contrib = lax.dot_general(
            onehot, det, (((0,), (0,)), ((), ())),
            precision=lax.Precision.HIGHEST,
            preferred_element_type=f32)
        out_ref[0] += contrib
        return base + jnp.sum(k_col)

    lax.fori_loop(0, _NCH, chunk, jnp.float32(0.0))


def kernel(prediction):
    xywh = prediction[:, :, 0:4]
    obj = prediction[:, :, 4:5]
    cls = prediction[:, :, 5:5 + _NC]
    prep = pl.pallas_call(
        _prep_body,
        grid=(_B, _NT),
        in_specs=[
            pl.BlockSpec((1, _TN, 4), lambda b, t: (b, t, 0)),
            pl.BlockSpec((1, _TN, 1), lambda b, t: (b, t, 0)),
            pl.BlockSpec((1, _TN, _NC), lambda b, t: (b, t, 0)),
        ],
        out_specs=pl.BlockSpec((1, _TN, 8), lambda b, t: (b, t, 0)),
        out_shape=jax.ShapeDtypeStruct((_B, _N, 8), jnp.float32),
    )(xywh, obj, cls)

    key = jnp.where(prep[:, :, 6] > 0.0, prep[:, :, 4], -jnp.inf)
    order = jnp.argsort(-key, axis=1)[:, :_K]
    rows = jnp.take_along_axis(prep, order[:, :, None], axis=1)

    out = pl.pallas_call(
        _nms_body,
        grid=(_B,),
        in_specs=[pl.BlockSpec((1, _K, 8), lambda b: (b, 0, 0))],
        out_specs=pl.BlockSpec((1, _P, 8), lambda b: (b, 0, 0)),
        out_shape=jax.ShapeDtypeStruct((_B, _P, 8), jnp.float32),
        scratch_shapes=[pltpu.VMEM((_K, 1), jnp.float32),
                        pltpu.VMEM((_K, 8), jnp.float32)],
    )(rows)
    return out[:, :_MAX_DET, :6]

# --- scband reference (transcript-rebuilt; emitter-appended) ---
"""Pipeline reference for scband-yolov5-14113262535278 (READ-ONLY COPY).

The authoritative reference and input builder live on the scoring server;
editing this copy changes nothing except your own understanding.
"""

import jax, jax.numpy as jnp
import numpy as np

CONF_THRES = 0.25
IOU_THRES = 0.45
MAX_DET = 300
MAX_NMS = 30000
MAX_WH = 4096.0
B, N, NC = 4, 20000, 80


def setup_inputs(seed: int = 0):
    key = jax.random.key(seed)
    k1, k2, k3, k4 = jax.random.split(key, 4)
    xy = jax.random.uniform(k1, (B, N, 2), dtype=jnp.float32) * 640.0
    wh = jax.random.uniform(k2, (B, N, 2), dtype=jnp.float32) * 96.0 + 4.0
    # sigmoid-like objectness in [0,1); power-8 sparsifies so ~16% pass conf_thres,
    # mimicking a realistic post-sigmoid YOLOv5 objectness distribution
    obj = jax.random.uniform(k3, (B, N, 1), dtype=jnp.float32) ** 8
    cls = jax.random.uniform(k4, (B, N, NC), dtype=jnp.float32)
    prediction = jnp.concatenate([xy, wh, obj, cls], axis=-1)
    return {"prediction": prediction}


def _xywh2xyxy(x):
    cx, cy, w, h = x[:, 0], x[:, 1], x[:, 2], x[:, 3]
    return jnp.stack([cx - w / 2.0, cy - h / 2.0, cx + w / 2.0, cy + h / 2.0], axis=1)


def _box_iou_matrix(b):
    area = (b[:, 2] - b[:, 0]) * (b[:, 3] - b[:, 1])
    lt = jnp.maximum(b[:, None, :2], b[None, :, :2])
    rb = jnp.minimum(b[:, None, 2:], b[None, :, 2:])
    wh = jnp.clip(rb - lt, 0.0)
    inter = wh[..., 0] * wh[..., 1]
    return inter / (area[:, None] + area[None, :] - inter + 1e-9)


def _greedy_nms(boxes, valid, iou_thres):
    # exact greedy NMS (same semantics as torchvision.ops.nms), masked fixed-shape form:
    # boxes are score-sorted; valid marks real candidates (never kept otherwise)
    n = boxes.shape[0]
    idx = jnp.arange(n)
    area = (boxes[:, 2] - boxes[:, 0]) * (boxes[:, 3] - boxes[:, 1])

    def body(i, keep):
        bi = boxes[i]
        lt = jnp.maximum(bi[:2], boxes[:, :2])
        rb = jnp.minimum(bi[2:], boxes[:, 2:])
        wh = jnp.clip(rb - lt, 0.0)
        inter = wh[:, 0] * wh[:, 1]
        area_i = (bi[2] - bi[0]) * (bi[3] - bi[1])
        iou = inter / (area_i + area - inter + 1e-9)
        suppress = keep[i] & (idx > i) & (iou > iou_thres)
        return keep & jnp.logical_not(suppress)

    return jax.lax.fori_loop(0, n, body, valid)


def _nms_select(pred_img):
    # returns fixed-shape padded detections [MAX_DET, 6] for one image
    n = pred_img.shape[0]
    obj = pred_img[:, 4]
    cls_scores = pred_img[:, 5:] * pred_img[:, 4:5]  # x[:, 5:] *= x[:, 4:5]
    conf = jnp.max(cls_scores, axis=1)
    j = jnp.argmax(cls_scores, axis=1)
    valid = (obj > CONF_THRES) & (conf > CONF_THRES)
    # n (static, from shape) is <= MAX_NMS, so the top-MAX_NMS clip never triggers
    order = jnp.argsort(-jnp.where(valid, conf, -jnp.inf))
    rows = pred_img[order]
    valid_s = valid[order]
    j_s = j[order]
    box = _xywh2xyxy(rows[:, :4])
    # class-offset boxes so NMS is per-class (agnostic=False)
    offset_boxes = box + j_s.astype(jnp.float32)[:, None] * MAX_WH
    keep = _greedy_nms(offset_boxes, valid_s, IOU_THRES)
    rank = jnp.cumsum(keep.astype(jnp.int32)) - 1
    write_idx = jnp.where(keep & (rank < MAX_DET), rank, MAX_DET)
    clsv = rows[jnp.arange(n), 5 + j_s]
    conf_det = rows[:, 4] * clsv
    det = jnp.concatenate(
        [box, conf_det[:, None], j_s.astype(jnp.float32)[:, None]], axis=1
    )
    return jnp.zeros((MAX_DET, 6), dtype=jnp.float32).at[write_idx].set(det, mode="drop")


def reference(prediction):
    # output padded to fixed shape [B, MAX_DET, 6]: (x1, y1, x2, y2, conf, cls)
    out = jnp.zeros((B, MAX_DET, 6), dtype=jnp.float32)
    for b in range(B):
        out = out.at[b].set(_nms_select(prediction[b]))
    return out

if __name__ == "__main__":
    import jax
    _d = setup_inputs()
    print(jax.jit(kernel)(*tuple(_d.values())))

</pallas_src>

<mosaic_0001>
module attributes {stable_mosaic.version = 14 : i64} {
  func.func @_prep_body(%arg0: i32, %arg1: i32, %arg2: memref<1x2000x4xf32, #tpu.memory_space<vmem>>, %arg3: memref<1x2000x1xf32, #tpu.memory_space<vmem>>, %arg4: memref<1x2000x80xf32, #tpu.memory_space<vmem>>, %arg5: memref<1x2000x8xf32, #tpu.memory_space<vmem>>) attributes {dimension_semantics = [#tpu.dimension_semantics<arbitrary>, #tpu.dimension_semantics<arbitrary>], iteration_bounds = array<i64: 4, 10>, scalar_prefetch = 0 : i64, scratch_operands = 0 : i64, tpu.core_type = #tpu.core_type<tc>, window_params = [{transform_indices = @transform_0, window_bounds = array<i64: 1, 2000, 4>}, {transform_indices = @transform_1, window_bounds = array<i64: 1, 2000, 1>}, {transform_indices = @transform_2, window_bounds = array<i64: 1, 2000, 80>}, {transform_indices = @transform_3, window_bounds = array<i64: 1, 2000, 8>}]} {
    %get3A = arith.constant 0 : index
    %get3A_0 = arith.constant 0 : index
    %get3A_1 = arith.constant 0 : index
    %get3A_2 = vector.load %arg2[%get3A, %get3A_0, %get3A_1] : memref<1x2000x4xf32, #tpu.memory_space<vmem>>, vector<1x2000x4xf32>
    %get3A_3 = vector.shape_cast %get3A_2 : vector<1x2000x4xf32> to vector<2000x4xf32>
    %get3A_4 = arith.constant 0 : index
    %get3A_5 = arith.constant 0 : index
    %get3A_6 = arith.constant 0 : index
    %get3A_7 = vector.load %arg3[%get3A_4, %get3A_5, %get3A_6] : memref<1x2000x1xf32, #tpu.memory_space<vmem>>, vector<1x2000x1xf32>
    %get3A_8 = vector.shape_cast %get3A_7 : vector<1x2000x1xf32> to vector<2000x1xf32>
    %get3A_9 = arith.constant 0 : index
    %get3A_10 = arith.constant 0 : index
    %get3A_11 = arith.constant 0 : index
    %get3A_12 = vector.load %arg4[%get3A_9, %get3A_10, %get3A_11] : memref<1x2000x80xf32, #tpu.memory_space<vmem>>, vector<1x2000x80xf32>
    %get3A_13 = vector.shape_cast %get3A_12 : vector<1x2000x80xf32> to vector<2000x80xf32>
    %mul3A = vector.broadcast %get3A_8 : vector<2000x1xf32> to vector<2000x80xf32>
    %mul3A_14 = arith.mulf %get3A_13, %mul3A : vector<2000x80xf32>
    %reduce_max3A = arith.constant dense<0xFF800000> : vector<2000xf32>
    %reduce_max3A_15 = vector.multi_reduction <maximumf>, %mul3A_14, %reduce_max3A [1] : vector<2000x80xf32> to vector<2000xf32>
    %broadcast_in_dim3A = vector.shape_cast %reduce_max3A_15 : vector<2000xf32> to vector<2000x1xf32>
    %iota3A = tpu.iota {dimensions = array<i32: 1>} : vector<2000x80xi32>
    %convert_element_type3A = arith.sitofp %iota3A : vector<2000x80xi32> to vector<2000x80xf32>
    %ge3A = vector.broadcast %broadcast_in_dim3A : vector<2000x1xf32> to vector<2000x80xf32>
    %ge3A_16 = arith.cmpf oge, %mul3A_14, %ge3A : vector<2000x80xf32>
    %jit3A = arith.constant 8.000000e+01 : f32
    %broadcast_in_dim3A_17 = vector.broadcast %jit3A : f32 to vector<2000x80xf32>
    %select_n3A = arith.select %ge3A_16, %convert_element_type3A, %broadcast_in_dim3A_17 : vector<2000x80xi1>, vector<2000x80xf32>
    %reduce_min3A = arith.constant dense<0x7F800000> : vector<2000xf32>
    %reduce_min3A_18 = vector.multi_reduction <minimumf>, %select_n3A, %reduce_min3A [1] : vector<2000x80xf32> to vector<2000xf32>
    %broadcast_in_dim3A_19 = vector.shape_cast %reduce_min3A_18 : vector<2000xf32> to vector<2000x1xf32>
    %slice3A = vector.extract_strided_slice %get3A_3 {offsets = [0, 0], sizes = [2000, 1], strides = [1, 1]} : vector<2000x4xf32> to vector<2000x1xf32>
    %slice3A_20 = vector.extract_strided_slice %get3A_3 {offsets = [0, 1], sizes = [2000, 1], strides = [1, 1]} : vector<2000x4xf32> to vector<2000x1xf32>
    %slice3A_21 = vector.extract_strided_slice %get3A_3 {offsets = [0, 2], sizes = [2000, 1], strides = [1, 1]} : vector<2000x4xf32> to vector<2000x1xf32>
    %slice3A_22 = vector.extract_strided_slice %get3A_3 {offsets = [0, 3], sizes = [2000, 1], strides = [1, 1]} : vector<2000x4xf32> to vector<2000x1xf32>
    %div3A = arith.constant 2.000000e+00 : f32
    %div3A_23 = vector.broadcast %div3A : f32 to vector<2000x1xf32>
    %div3A_24 = arith.divf %slice3A_21, %div3A_23 : vector<2000x1xf32>
    %sub3A = arith.subf %slice3A, %div3A_24 : vector<2000x1xf32>
    %div3A_25 = arith.constant 2.000000e+00 : f32
    %div3A_26 = vector.broadcast %div3A_25 : f32 to vector<2000x1xf32>
    %div3A_27 = arith.divf %slice3A_22, %div3A_26 : vector<2000x1xf32>
    %sub3A_28 = arith.subf %slice3A_20, %div3A_27 : vector<2000x1xf32>
    %div3A_29 = arith.constant 2.000000e+00 : f32
    %div3A_30 = vector.broadcast %div3A_29 : f32 to vector<2000x1xf32>
    %div3A_31 = arith.divf %slice3A_21, %div3A_30 : vector<2000x1xf32>
    %add3A = arith.addf %slice3A, %div3A_31 : vector<2000x1xf32>
    %div3A_32 = arith.constant 2.000000e+00 : f32
    %div3A_33 = vector.broadcast %div3A_32 : f32 to vector<2000x1xf32>
    %div3A_34 = arith.divf %slice3A_22, %div3A_33 : vector<2000x1xf32>
    %add3A_35 = arith.addf %slice3A_20, %div3A_34 : vector<2000x1xf32>
    %gt3A = arith.constant 2.500000e-01 : f32
    %gt3A_36 = vector.broadcast %gt3A : f32 to vector<2000x1xf32>
    %gt3A_37 = arith.cmpf ogt, %get3A_8, %gt3A_36 : vector<2000x1xf32>
    %gt3A_38 = arith.constant 2.500000e-01 : f32
    %gt3A_39 = vector.broadcast %gt3A_38 : f32 to vector<2000x1xf32>
    %gt3A_40 = arith.cmpf ogt, %broadcast_in_dim3A, %gt3A_39 : vector<2000x1xf32>
    %and3A = arith.andi %gt3A_37, %gt3A_40 : vector<2000x1xi1>
    %convert_element_type3A_41 = arith.extui %and3A : vector<2000x1xi1> to vector<2000x1xi32>
    %convert_element_type3A_42 = arith.sitofp %convert_element_type3A_41 : vector<2000x1xi32> to vector<2000x1xf32>
    %broadcast_in_dim3A_43 = arith.constant 0.000000e+00 : f32
    %broadcast_in_dim3A_44 = vector.broadcast %broadcast_in_dim3A_43 : f32 to vector<2000x1xf32>
    %concatenate3A = tpu.concatenate %sub3A, %sub3A_28, %add3A, %add3A_35, %broadcast_in_dim3A, %broadcast_in_dim3A_19, %convert_element_type3A_42, %broadcast_in_dim3A_44 in 1 : vector<2000x1xf32>, vector<2000x1xf32>, vector<2000x1xf32>, vector<2000x1xf32>, vector<2000x1xf32>, vector<2000x1xf32>, vector<2000x1xf32>, vector<2000x1xf32> -> vector<2000x8xf32>
    %swap3A = arith.constant 0 : index
    %swap3A_45 = arith.constant 0 : index
    %swap3A_46 = arith.constant 0 : index
    %swap3A_47 = vector.load %arg5[%swap3A, %swap3A_45, %swap3A_46] : memref<1x2000x8xf32, #tpu.memory_space<vmem>>, vector<1x2000x8xf32>
    %swap3A_48 = vector.shape_cast %swap3A_47 : vector<1x2000x8xf32> to vector<2000x8xf32>
    %swap3A_49 = vector.shape_cast %concatenate3A : vector<2000x8xf32> to vector<1x2000x8xf32>
    tpu.vector_store %arg5[%swap3A, %swap3A_45, %swap3A_46], %swap3A_49 {strides = array<i32>} : memref<1x2000x8xf32, #tpu.memory_space<vmem>>, vector<1x2000x8xf32>,
    return
  }
  func.func @transform_0(%arg0: i32, %arg1: i32) -> (i32, i32, i32) {
    %c0_i32 = arith.constant 0 : i32
    %c0_i32_0 = arith.constant 0 : i32
    return %arg0, %arg1, %c0_i32 : i32, i32, i32
  }
  func.func @transform_1(%arg0: i32, %arg1: i32) -> (i32, i32, i32) {
    %c0_i32 = arith.constant 0 : i32
    %c0_i32_0 = arith.constant 0 : i32
    return %arg0, %arg1, %c0_i32 : i32, i32, i32
  }
  func.func @transform_2(%arg0: i32, %arg1: i32) -> (i32, i32, i32) {
    %c0_i32 = arith.constant 0 : i32
    %c0_i32_0 = arith.constant 0 : i32
    return %arg0, %arg1, %c0_i32 : i32, i32, i32
  }
  func.func @transform_3(%arg0: i32, %arg1: i32) -> (i32, i32, i32) {
    %c0_i32 = arith.constant 0 : i32
    %c0_i32_0 = arith.constant 0 : i32
    return %arg0, %arg1, %c0_i32 : i32, i32, i32
  }
}

module attributes {stable_mosaic.version = 14 : i64} {
  func.func @_nms_body(%arg0: i32, %arg1: memref<1x4096x8xf32, #tpu.memory_space<vmem>>, %arg2: memref<1x384x8xf32, #tpu.memory_space<vmem>>, %arg3: memref<4096x1xf32, #tpu.memory_space<vmem>>, %arg4: memref<4096x8xf32, #tpu.memory_space<vmem>>) attributes {dimension_semantics = [#tpu.dimension_semantics<arbitrary>], iteration_bounds = array<i64: 4>, scalar_prefetch = 0 : i64, scratch_operands = 2 : i64, tpu.core_type = #tpu.core_type<tc>, window_params = [{transform_indices = @transform_0, window_bounds = array<i64: 1, 4096, 8>}, {transform_indices = @transform_1, window_bounds = array<i64: 1, 384, 8>}]} {
    %get3A = arith.constant 0 : index
    %get3A_0 = arith.constant 0 : index
    %get3A_1 = arith.constant 0 : index
    %get3A_2 = vector.load %arg1[%get3A, %get3A_0, %get3A_1] : memref<1x4096x8xf32, #tpu.memory_space<vmem>>, vector<1x4096x8xf32>
    %get3A_3 = vector.shape_cast %get3A_2 : vector<1x4096x8xf32> to vector<4096x8xf32>
    %slice3A = vector.extract_strided_slice %get3A_3 {offsets = [0, 5], sizes = [4096, 1], strides = [1, 1]} : vector<4096x8xf32> to vector<4096x1xf32>
    %mul3A = arith.constant 4.096000e+03 : f32
    %mul3A_4 = vector.broadcast %mul3A : f32 to vector<4096x1xf32>
    %mul3A_5 = arith.mulf %slice3A, %mul3A_4 : vector<4096x1xf32>
    %slice3A_6 = vector.extract_strided_slice %get3A_3 {offsets = [0, 0], sizes = [4096, 1], strides = [1, 1]} : vector<4096x8xf32> to vector<4096x1xf32>
    %add3A = arith.addf %slice3A_6, %mul3A_5 : vector<4096x1xf32>
    %slice3A_7 = vector.extract_strided_slice %get3A_3 {offsets = [0, 1], sizes = [4096, 1], strides = [1, 1]} : vector<4096x8xf32> to vector<4096x1xf32>
    %add3A_8 = arith.addf %slice3A_7, %mul3A_5 : vector<4096x1xf32>
    %slice3A_9 = vector.extract_strided_slice %get3A_3 {offsets = [0, 2], sizes = [4096, 1], strides = [1, 1]} : vector<4096x8xf32> to vector<4096x1xf32>
    %add3A_10 = arith.addf %slice3A_9, %mul3A_5 : vector<4096x1xf32>
    %slice3A_11 = vector.extract_strided_slice %get3A_3 {offsets = [0, 3], sizes = [4096, 1], strides = [1, 1]} : vector<4096x8xf32> to vector<4096x1xf32>
    %add3A_12 = arith.addf %slice3A_11, %mul3A_5 : vector<4096x1xf32>
    %sub3A = arith.subf %add3A_10, %add3A : vector<4096x1xf32>
    %sub3A_13 = arith.subf %add3A_12, %add3A_8 : vector<4096x1xf32>
    %mul3A_14 = arith.mulf %sub3A, %sub3A_13 : vector<4096x1xf32>
    %broadcast_in_dim3A = arith.constant 0.000000e+00 : f32
    %broadcast_in_dim3A_15 = vector.broadcast %broadcast_in_dim3A : f32 to vector<4096x1xf32>
    %concatenate3A = tpu.concatenate %add3A, %add3A_8, %add3A_10, %add3A_12, %mul3A_14, %broadcast_in_dim3A_15, %broadcast_in_dim3A_15, %broadcast_in_dim3A_15 in 1 : vector<4096x1xf32>, vector<4096x1xf32>, vector<4096x1xf32>, vector<4096x1xf32>, vector<4096x1xf32>, vector<4096x1xf32>, vector<4096x1xf32>, vector<4096x1xf32> -> vector<4096x8xf32>
    %swap3A = arith.constant 0 : index
    %swap3A_16 = arith.constant 0 : index
    %swap3A_17 = vector.load %arg4[%swap3A, %swap3A_16] : memref<4096x8xf32, #tpu.memory_space<vmem>>, vector<4096x8xf32>
    tpu.vector_store %arg4[%swap3A, %swap3A_16], %concatenate3A {strides = array<i32>} : memref<4096x8xf32, #tpu.memory_space<vmem>>, vector<4096x8xf32>,
    %slice3A_18 = vector.extract_strided_slice %get3A_3 {offsets = [0, 6], sizes = [4096, 1], strides = [1, 1]} : vector<4096x8xf32> to vector<4096x1xf32>
    %swap3A_19 = arith.constant 0 : index
    %swap3A_20 = arith.constant 0 : index
    %swap3A_21 = vector.load %arg3[%swap3A_19, %swap3A_20] : memref<4096x1xf32, #tpu.memory_space<vmem>>, vector<4096x1xf32>
    tpu.vector_store %arg3[%swap3A_19, %swap3A_20], %slice3A_18 {strides = array<i32>} : memref<4096x1xf32, #tpu.memory_space<vmem>>, vector<4096x1xf32>,
    %broadcast_in_dim3A_22 = arith.constant 0.000000e+00 : f32
    %broadcast_in_dim3A_23 = vector.broadcast %broadcast_in_dim3A_22 : f32 to vector<384x8xf32>
    %swap3A_24 = arith.constant 0 : index
    %swap3A_25 = arith.constant 0 : index
    %swap3A_26 = arith.constant 0 : index
    %swap3A_27 = vector.load %arg2[%swap3A_24, %swap3A_25, %swap3A_26] : memref<1x384x8xf32, #tpu.memory_space<vmem>>, vector<1x384x8xf32>
    %swap3A_28 = vector.shape_cast %swap3A_27 : vector<1x384x8xf32> to vector<384x8xf32>
    %swap3A_29 = vector.shape_cast %broadcast_in_dim3A_23 : vector<384x8xf32> to vector<1x384x8xf32>
    tpu.vector_store %arg2[%swap3A_24, %swap3A_25, %swap3A_26], %swap3A_29 {strides = array<i32>} : memref<1x384x8xf32, #tpu.memory_space<vmem>>, vector<1x384x8xf32>,
    %iota3A = tpu.iota {dimensions = array<i32: 0>} : vector<128x128xi32>
    %iota3A_30 = tpu.iota {dimensions = array<i32: 1>} : vector<128x128xi32>
    %eq3A = arith.cmpi eq, %iota3A, %iota3A_30 : vector<128x128xi32>
    %convert_element_type3A = arith.extui %eq3A : vector<128x128xi1> to vector<128x128xi32>
    %convert_element_type3A_31 = arith.sitofp %convert_element_type3A : vector<128x128xi32> to vector<128x128xf32>
    %lt3A = arith.cmpi slt, %iota3A_30, %iota3A : vector<128x128xi32>
    %convert_element_type3A_32 = arith.extui %lt3A : vector<128x128xi1> to vector<128x128xi32>
    %convert_element_type3A_33 = arith.sitofp %convert_element_type3A_32 : vector<128x128xi32> to vector<128x128xf32>
    %le3A = arith.cmpi sle, %iota3A, %iota3A_30 : vector<128x128xi32>
    %convert_element_type3A_34 = arith.extui %le3A : vector<128x128xi1> to vector<128x128xi32>
    %convert_element_type3A_35 = arith.sitofp %convert_element_type3A_34 : vector<128x128xi32> to vector<128x128xf32>
    %iota3A_36 = tpu.iota {dimensions = array<i32: 0>} : vector<4096x1xi32>
    %iota3A_37 = tpu.iota {dimensions = array<i32: 1>} : vector<1x384xi32>
    %convert_element_type3A_38 = arith.sitofp %iota3A_37 : vector<1x384xi32> to vector<1x384xf32>
    %scan3A = arith.constant 0.000000e+00 : f32
    %scan3A_39 = arith.constant 0 : i32
    %scan3A_40 = arith.constant 32 : i32
    %scan3A_41 = arith.addi %scan3A_39, %scan3A_40 : i32
    %scan3A_42 = arith.constant 1 : i32
    %scan3A_43 = scf.for %scan3A_45 = %scan3A_39 to %scan3A_41 step %scan3A_42 iter_args(%scan3A_46 = %scan3A) -> (f32)  : i32 {
      %mul3A_47 = arith.constant 128 : i32
      %mul3A_48 = arith.muli %scan3A_45, %mul3A_47 : i32
      %multiple_of3A = tpu.assume_multiple %mul3A_48, 128 : i32
      %get3A_49 = arith.index_cast %multiple_of3A : i32 to index
      %get3A_50 = arith.constant 0 : index
      %get3A_51 = vector.load %arg4[%get3A_49, %get3A_50] : memref<4096x8xf32, #tpu.memory_space<vmem>>, vector<128x8xf32>
      %slice3A_52 = vector.extract_strided_slice %get3A_51 {offsets = [0, 0], sizes = [128, 1], strides = [1, 1]} : vector<128x8xf32> to vector<128x1xf32>
      %slice3A_53 = vector.extract_strided_slice %get3A_51 {offsets = [0, 1], sizes = [128, 1], strides = [1, 1]} : vector<128x8xf32> to vector<128x1xf32>
      %slice3A_54 = vector.extract_strided_slice %get3A_51 {offsets = [0, 2], sizes = [128, 1], strides = [1, 1]} : vector<128x8xf32> to vector<128x1xf32>
      %slice3A_55 = vector.extract_strided_slice %get3A_51 {offsets = [0, 3], sizes = [128, 1], strides = [1, 1]} : vector<128x8xf32> to vector<128x1xf32>
      %slice3A_56 = vector.extract_strided_slice %get3A_51 {offsets = [0, 4], sizes = [128, 1], strides = [1, 1]} : vector<128x8xf32> to vector<128x1xf32>
      %mul3A_57 = vector.broadcast %slice3A_52 : vector<128x1xf32> to vector<128x128xf32>
      %mul3A_58 = arith.mulf %convert_element_type3A_31, %mul3A_57 : vector<128x128xf32>
      %reduce_sum3A = arith.constant dense<0.000000e+00> : vector<128xf32>
      %reduce_sum3A_59 = vector.multi_reduction <add>, %mul3A_58, %reduce_sum3A [0] : vector<128x128xf32> to vector<128xf32>
      %broadcast_in_dim3A_60 = vector.shape_cast %reduce_sum3A_59 : vector<128xf32> to vector<1x128xf32>
      %mul3A_61 = vector.broadcast %slice3A_53 : vector<128x1xf32> to vector<128x128xf32>
      %mul3A_62 = arith.mulf %convert_element_type3A_31, %mul3A_61 : vector<128x128xf32>
      %reduce_sum3A_63 = arith.constant dense<0.000000e+00> : vector<128xf32>
      %reduce_sum3A_64 = vector.multi_reduction <add>, %mul3A_62, %reduce_sum3A_63 [0] : vector<128x128xf32> to vector<128xf32>
      %broadcast_in_dim3A_65 = vector.shape_cast %reduce_sum3A_64 : vector<128xf32> to vector<1x128xf32>
      %mul3A_66 = vector.broadcast %slice3A_54 : vector<128x1xf32> to vector<128x128xf32>
      %mul3A_67 = arith.mulf %convert_element_type3A_31, %mul3A_66 : vector<128x128xf32>
      %reduce_sum3A_68 = arith.constant dense<0.000000e+00> : vector<128xf32>
      %reduce_sum3A_69 = vector.multi_reduction <add>, %mul3A_67, %reduce_sum3A_68 [0] : vector<128x128xf32> to vector<128xf32>
      %broadcast_in_dim3A_70 = vector.shape_cast %reduce_sum3A_69 : vector<128xf32> to vector<1x128xf32>
      %mul3A_71 = vector.broadcast %slice3A_55 : vector<128x1xf32> to vector<128x128xf32>
      %mul3A_72 = arith.mulf %convert_element_type3A_31, %mul3A_71 : vector<128x128xf32>
      %reduce_sum3A_73 = arith.constant dense<0.000000e+00> : vector<128xf32>
      %reduce_sum3A_74 = vector.multi_reduction <add>, %mul3A_72, %reduce_sum3A_73 [0] : vector<128x128xf32> to vector<128xf32>
      %broadcast_in_dim3A_75 = vector.shape_cast %reduce_sum3A_74 : vector<128xf32> to vector<1x128xf32>
      %mul3A_76 = vector.broadcast %slice3A_56 : vector<128x1xf32> to vector<128x128xf32>
      %mul3A_77 = arith.mulf %convert_element_type3A_31, %mul3A_76 : vector<128x128xf32>
      %reduce_sum3A_78 = arith.constant dense<0.000000e+00> : vector<128xf32>
      %reduce_sum3A_79 = vector.multi_reduction <add>, %mul3A_77, %reduce_sum3A_78 [0] : vector<128x128xf32> to vector<128xf32>
      %broadcast_in_dim3A_80 = vector.shape_cast %reduce_sum3A_79 : vector<128xf32> to vector<1x128xf32>
      %max3A = vector.broadcast %slice3A_52 : vector<128x1xf32> to vector<128x128xf32>
      %max3A_81 = vector.broadcast %broadcast_in_dim3A_60 : vector<1x128xf32> to vector<128x128xf32>
      %max3A_82 = arith.maximumf %max3A, %max3A_81 : vector<128x128xf32>
      %max3A_83 = vector.broadcast %slice3A_53 : vector<128x1xf32> to vector<128x128xf32>
      %max3A_84 = vector.broadcast %broadcast_in_dim3A_65 : vector<1x128xf32> to vector<128x128xf32>
      %max3A_85 = arith.maximumf %max3A_83, %max3A_84 : vector<128x128xf32>
      %min3A = vector.broadcast %slice3A_54 : vector<128x1xf32> to vector<128x128xf32>
      %min3A_86 = vector.broadcast %broadcast_in_dim3A_70 : vector<1x128xf32> to vector<128x128xf32>
      %min3A_87 = arith.minimumf %min3A, %min3A_86 : vector<128x128xf32>
      %min3A_88 = vector.broadcast %slice3A_55 : vector<128x1xf32> to vector<128x128xf32>
      %min3A_89 = vector.broadcast %broadcast_in_dim3A_75 : vector<1x128xf32> to vector<128x128xf32>
      %min3A_90 = arith.minimumf %min3A_88, %min3A_89 : vector<128x128xf32>
      %sub3A_91 = arith.subf %min3A_87, %max3A_82 : vector<128x128xf32>
      %jit3A = arith.constant 0.000000e+00 : f32
      %max3A_92 = vector.broadcast %jit3A : f32 to vector<128x128xf32>
      %max3A_93 = arith.maximumf %max3A_92, %sub3A_91 : vector<128x128xf32>
      %sub3A_94 = arith.subf %min3A_90, %max3A_85 : vector<128x128xf32>
      %jit3A_95 = arith.constant 0.000000e+00 : f32
      %max3A_96 = vector.broadcast %jit3A_95 : f32 to vector<128x128xf32>
      %max3A_97 = arith.maximumf %max3A_96, %sub3A_94 : vector<128x128xf32>
      %mul3A_98 = arith.mulf %max3A_93, %max3A_97 : vector<128x128xf32>
      %add3A_99 = vector.broadcast %slice3A_56 : vector<128x1xf32> to vector<128x128xf32>
      %add3A_100 = vector.broadcast %broadcast_in_dim3A_80 : vector<1x128xf32> to vector<128x128xf32>
      %add3A_101 = arith.addf %add3A_99, %add3A_100 : vector<128x128xf32>
      %sub3A_102 = arith.subf %add3A_101, %mul3A_98 : vector<128x128xf32>
      %add3A_103 = arith.constant 9.99999971E-10 : f32
      %add3A_104 = vector.broadcast %add3A_103 : f32 to vector<128x128xf32>
      %add3A_105 = arith.addf %sub3A_102, %add3A_104 : vector<128x128xf32>
      %div3A = arith.divf %mul3A_98, %add3A_105 : vector<128x128xf32>
      %gt3A = arith.constant 4.500000e-01 : f32
      %gt3A_106 = vector.broadcast %gt3A : f32 to vector<128x128xf32>
      %gt3A_107 = arith.cmpf ogt, %div3A, %gt3A_106 : vector<128x128xf32>
      %convert_element_type3A_108 = arith.extui %gt3A_107 : vector<128x128xi1> to vector<128x128xi32>
      %convert_element_type3A_109 = arith.sitofp %convert_element_type3A_108 : vector<128x128xi32> to vector<128x128xf32>
      %mul3A_110 = arith.mulf %convert_element_type3A_109, %convert_element_type3A_33 : vector<128x128xf32>
      %get3A_111 = arith.index_cast %multiple_of3A : i32 to index
      %get3A_112 = arith.constant 0 : index
      %get3A_113 = vector.load %arg3[%get3A_111, %get3A_112] : memref<4096x1xf32, #tpu.memory_space<vmem>>, vector<128x1xf32>
      %mul3A_114 = vector.broadcast %get3A_113 : vector<128x1xf32> to vector<128x128xf32>
      %mul3A_115 = arith.mulf %convert_element_type3A_31, %mul3A_114 : vector<128x128xf32>
      %reduce_sum3A_116 = arith.constant dense<0.000000e+00> : vector<128xf32>
      %reduce_sum3A_117 = vector.multi_reduction <add>, %mul3A_115, %reduce_sum3A_116 [0] : vector<128x128xf32> to vector<128xf32>
      %broadcast_in_dim3A_118 = vector.shape_cast %reduce_sum3A_117 : vector<128xf32> to vector<1x128xf32>
      %while3A = arith.constant true
      %while3A_119:3 = scf.while (%while3A_222 = %get3A_113, %while3A_223 = %broadcast_in_dim3A_118, %while3A_224 = %while3A) : (vector<128x1xf32>, vector<1x128xf32>, i1) -> (vector<128x1xf32>, vector<1x128xf32>, i1) {
        scf.condition(%while3A_224) %while3A_222, %while3A_223, %while3A_224 : vector<128x1xf32>, vector<1x128xf32>, i1
      } do {
      ^bb0(%while3A_222: vector<128x1xf32>, %while3A_223: vector<1x128xf32>, %while3A_224: i1):
        %mul3A_225 = vector.broadcast %while3A_223 : vector<1x128xf32> to vector<128x128xf32>
        %mul3A_226 = arith.mulf %mul3A_110, %mul3A_225 : vector<128x128xf32>
        %reduce_max3A_227 = arith.constant dense<0xFF800000> : vector<128xf32>
        %reduce_max3A_228 = vector.multi_reduction <maximumf>, %mul3A_226, %reduce_max3A_227 [1] : vector<128x128xf32> to vector<128xf32>
        %broadcast_in_dim3A_229 = vector.shape_cast %reduce_max3A_228 : vector<128xf32> to vector<128x1xf32>
        %sub3A_230 = arith.constant 1.000000e+00 : f32
        %sub3A_231 = vector.broadcast %sub3A_230 : f32 to vector<128x1xf32>
        %sub3A_232 = arith.subf %sub3A_231, %broadcast_in_dim3A_229 : vector<128x1xf32>
        %mul3A_233 = arith.mulf %get3A_113, %sub3A_232 : vector<128x1xf32>
        %mul3A_234 = vector.broadcast %mul3A_233 : vector<128x1xf32> to vector<128x128xf32>
        %mul3A_235 = arith.mulf %convert_element_type3A_31, %mul3A_234 : vector<128x128xf32>
        %reduce_sum3A_236 = arith.constant dense<0.000000e+00> : vector<128xf32>
        %reduce_sum3A_237 = vector.multi_reduction <add>, %mul3A_235, %reduce_sum3A_236 [0] : vector<128x128xf32> to vector<128xf32>
        %broadcast_in_dim3A_238 = vector.shape_cast %reduce_sum3A_237 : vector<128xf32> to vector<1x128xf32>
        %ne3A = arith.cmpf one, %mul3A_233, %while3A_222 : vector<128x1xf32>
        %reduce_or3A = arith.constant 1.000000e+00 : f32
        %reduce_or3A_239 = arith.constant 0.000000e+00 : f32
        %reduce_or3A_240 = vector.broadcast %reduce_or3A : f32 to vector<128x1xf32>
        %reduce_or3A_241 = vector.broadcast %reduce_or3A_239 : f32 to vector<128x1xf32>
        %reduce_or3A_242 = arith.select %ne3A, %reduce_or3A_240, %reduce_or3A_241 : vector<128x1xi1>, vector<128x1xf32>
        %reduce_or3A_243 = vector.shape_cast %reduce_or3A_242 : vector<128x1xf32> to vector<1x128x1xf32>
        %reduce_or3A_244 = arith.constant dense<0xFF800000> : vector<1xf32>
        %reduce_or3A_245 = vector.multi_reduction <maximumf>, %reduce_or3A_243, %reduce_or3A_244 [1, 2] : vector<1x128x1xf32> to vector<1xf32>
        %reduce_or3A_246 = vector.shape_cast %reduce_or3A_245 : vector<1xf32> to vector<1x1x1xf32>
        %reduce_or3A_247 = vector.extract %reduce_or3A_246[0, 0, 0] : f32 from vector<1x1x1xf32>
        %reduce_or3A_248 = arith.constant 0.000000e+00 : f32
        %reduce_or3A_249 = arith.cmpf ogt, %reduce_or3A_247, %reduce_or3A_248 : f32
        scf.yield %mul3A_233, %broadcast_in_dim3A_238, %reduce_or3A_249 : vector<128x1xf32>, vector<1x128xf32>, i1
      }
      %swap3A_120 = arith.index_cast %multiple_of3A : i32 to index
      %swap3A_121 = arith.constant 0 : index
      %swap3A_122 = vector.load %arg3[%swap3A_120, %swap3A_121] : memref<4096x1xf32, #tpu.memory_space<vmem>>, vector<128x1xf32>
      tpu.vector_store %arg3[%swap3A_120, %swap3A_121], %while3A_119#0 {strides = array<i32>} : memref<4096x1xf32, #tpu.memory_space<vmem>>, vector<128x1xf32>,
      %max3A_123 = vector.broadcast %add3A : vector<4096x1xf32> to vector<4096x128xf32>
      %max3A_124 = vector.broadcast %broadcast_in_dim3A_60 : vector<1x128xf32> to vector<4096x128xf32>
      %max3A_125 = arith.maximumf %max3A_123, %max3A_124 : vector<4096x128xf32>
      %max3A_126 = vector.broadcast %add3A_8 : vector<4096x1xf32> to vector<4096x128xf32>
      %max3A_127 = vector.broadcast %broadcast_in_dim3A_65 : vector<1x128xf32> to vector<4096x128xf32>
      %max3A_128 = arith.maximumf %max3A_126, %max3A_127 : vector<4096x128xf32>
      %min3A_129 = vector.broadcast %add3A_10 : vector<4096x1xf32> to vector<4096x128xf32>
      %min3A_130 = vector.broadcast %broadcast_in_dim3A_70 : vector<1x128xf32> to vector<4096x128xf32>
      %min3A_131 = arith.minimumf %min3A_129, %min3A_130 : vector<4096x128xf32>
      %min3A_132 = vector.broadcast %add3A_12 : vector<4096x1xf32> to vector<4096x128xf32>
      %min3A_133 = vector.broadcast %broadcast_in_dim3A_75 : vector<1x128xf32> to vector<4096x128xf32>
      %min3A_134 = arith.minimumf %min3A_132, %min3A_133 : vector<4096x128xf32>
      %sub3A_135 = arith.subf %min3A_131, %max3A_125 : vector<4096x128xf32>
      %jit3A_136 = arith.constant 0.000000e+00 : f32
      %max3A_137 = vector.broadcast %jit3A_136 : f32 to vector<4096x128xf32>
      %max3A_138 = arith.maximumf %max3A_137, %sub3A_135 : vector<4096x128xf32>
      %sub3A_139 = arith.subf %min3A_134, %max3A_128 : vector<4096x128xf32>
      %jit3A_140 = arith.constant 0.000000e+00 : f32
      %max3A_141 = vector.broadcast %jit3A_140 : f32 to vector<4096x128xf32>
      %max3A_142 = arith.maximumf %max3A_141, %sub3A_139 : vector<4096x128xf32>
      %mul3A_143 = arith.mulf %max3A_138, %max3A_142 : vector<4096x128xf32>
      %add3A_144 = vector.broadcast %mul3A_14 : vector<4096x1xf32> to vector<4096x128xf32>
      %add3A_145 = vector.broadcast %broadcast_in_dim3A_80 : vector<1x128xf32> to vector<4096x128xf32>
      %add3A_146 = arith.addf %add3A_144, %add3A_145 : vector<4096x128xf32>
      %sub3A_147 = arith.subf %add3A_146, %mul3A_143 : vector<4096x128xf32>
      %add3A_148 = arith.constant 9.99999971E-10 : f32
      %add3A_149 = vector.broadcast %add3A_148 : f32 to vector<4096x128xf32>
      %add3A_150 = arith.addf %sub3A_147, %add3A_149 : vector<4096x128xf32>
      %div3A_151 = arith.divf %mul3A_143, %add3A_150 : vector<4096x128xf32>
      %gt3A_152 = arith.constant 4.500000e-01 : f32
      %gt3A_153 = vector.broadcast %gt3A_152 : f32 to vector<4096x128xf32>
      %gt3A_154 = arith.cmpf ogt, %div3A_151, %gt3A_153 : vector<4096x128xf32>
      %convert_element_type3A_155 = arith.extui %gt3A_154 : vector<4096x128xi1> to vector<4096x128xi32>
      %convert_element_type3A_156 = arith.sitofp %convert_element_type3A_155 : vector<4096x128xi32> to vector<4096x128xf32>
      %mul3A_157 = vector.broadcast %while3A_119#1 : vector<1x128xf32> to vector<4096x128xf32>
      %mul3A_158 = arith.mulf %convert_element_type3A_156, %mul3A_157 : vector<4096x128xf32>
      %reduce_max3A = arith.constant dense<0xFF800000> : vector<4096xf32>
      %reduce_max3A_159 = vector.multi_reduction <maximumf>, %mul3A_158, %reduce_max3A [1] : vector<4096x128xf32> to vector<4096xf32>
      %broadcast_in_dim3A_160 = vector.shape_cast %reduce_max3A_159 : vector<4096xf32> to vector<4096x1xf32>
      %add3A_161 = arith.constant 128 : i32
      %add3A_162 = arith.addi %multiple_of3A, %add3A_161 : i32
      %ge3A = vector.broadcast %add3A_162 : i32 to vector<4096x1xi32>
      %ge3A_163 = arith.cmpi sge, %iota3A_36, %ge3A : vector<4096x1xi32>
      %convert_element_type3A_164 = arith.extui %ge3A_163 : vector<4096x1xi1> to vector<4096x1xi32>
      %convert_element_type3A_165 = arith.sitofp %convert_element_type3A_164 : vector<4096x1xi32> to vector<4096x1xf32>
      %get3A_166 = arith.constant 0 : index
      %get3A_167 = arith.constant 0 : index
      %get3A_168 = vector.load %arg3[%get3A_166, %get3A_167] : memref<4096x1xf32, #tpu.memory_space<vmem>>, vector<4096x1xf32>
      %mul3A_169 = arith.mulf %broadcast_in_dim3A_160, %convert_element_type3A_165 : vector<4096x1xf32>
      %sub3A_170 = arith.constant 1.000000e+00 : f32
      %sub3A_171 = vector.broadcast %sub3A_170 : f32 to vector<4096x1xf32>
      %sub3A_172 = arith.subf %sub3A_171, %mul3A_169 : vector<4096x1xf32>
      %mul3A_173 = arith.mulf %get3A_168, %sub3A_172 : vector<4096x1xf32>
      %swap3A_174 = arith.constant 0 : index
      %swap3A_175 = arith.constant 0 : index
      %swap3A_176 = vector.load %arg3[%swap3A_174, %swap3A_175] : memref<4096x1xf32, #tpu.memory_space<vmem>>, vector<4096x1xf32>
      tpu.vector_store %arg3[%swap3A_174, %swap3A_175], %mul3A_173 {strides = array<i32>} : memref<4096x1xf32, #tpu.memory_space<vmem>>, vector<4096x1xf32>,
      %dot_general3A = arith.constant dense<0.000000e+00> : vector<1x128xf32>
      %dot_general3A_177 = tpu.matmul %while3A_119#1, %convert_element_type3A_35, %dot_general3A {dimension_numbers = #tpu.dot_dimension_numbers<[1], [0], [0], [1], [0, 0, 1, 1], [], []>, transpose_lhs_hint = false} : vector<1x128xf32>, vector<128x128xf32>, vector<1x128xf32> -> vector<1x128xf32>
      %add3A_178 = vector.broadcast %scan3A_46 : f32 to vector<1x128xf32>
      %add3A_179 = arith.addf %add3A_178, %dot_general3A_177 : vector<1x128xf32>
      %sub3A_180 = arith.constant 1.000000e+00 : f32
      %sub3A_181 = vector.broadcast %sub3A_180 : f32 to vector<1x128xf32>
      %sub3A_182 = arith.subf %add3A_179, %sub3A_181 : vector<1x128xf32>
      %mul3A_183 = vector.broadcast %sub3A_182 : vector<1x128xf32> to vector<128x128xf32>
      %mul3A_184 = arith.mulf %convert_element_type3A_31, %mul3A_183 : vector<128x128xf32>
      %reduce_sum3A_185 = arith.constant dense<0.000000e+00> : vector<128xf32>
      %reduce_sum3A_186 = vector.multi_reduction <add>, %mul3A_184, %reduce_sum3A_185 [1] : vector<128x128xf32> to vector<128xf32>
      %broadcast_in_dim3A_187 = vector.shape_cast %reduce_sum3A_186 : vector<128xf32> to vector<128x1xf32>
      %eq3A_188 = vector.broadcast %broadcast_in_dim3A_187 : vector<128x1xf32> to vector<128x384xf32>
      %eq3A_189 = vector.broadcast %convert_element_type3A_38 : vector<1x384xf32> to vector<128x384xf32>
      %eq3A_190 = arith.cmpf oeq, %eq3A_188, %eq3A_189 : vector<128x384xf32>
      %jit3A_191 = arith.constant 1.000000e+00 : f32
      %jit3A_192 = arith.constant 0.000000e+00 : f32
      %broadcast_in_dim3A_193 = vector.broadcast %jit3A_191 : f32 to vector<128x384xf32>
      %broadcast_in_dim3A_194 = vector.broadcast %jit3A_192 : f32 to vector<128x384xf32>
      %select_n3A = arith.select %eq3A_190, %broadcast_in_dim3A_193, %broadcast_in_dim3A_194 : vector<128x384xi1>, vector<128x384xf32>
      %mul3A_195 = vector.broadcast %while3A_119#0 : vector<128x1xf32> to vector<128x384xf32>
      %mul3A_196 = arith.mulf %select_n3A, %mul3A_195 : vector<128x384xf32>
      %get3A_197 = arith.constant 0 : index
      %get3A_198 = arith.index_cast %multiple_of3A : i32 to index
      %get3A_199 = arith.constant 0 : index
      %get3A_200 = vector.load %arg1[%get3A_197, %get3A_198, %get3A_199] : memref<1x4096x8xf32, #tpu.memory_space<vmem>>, vector<1x128x8xf32>
      %get3A_201 = vector.shape_cast %get3A_200 : vector<1x128x8xf32> to vector<128x8xf32>
      %dot_general3A_202 = arith.constant dense<0.000000e+00> : vector<384x8xf32>
      %dot_general3A_203 = tpu.matmul %mul3A_196, %get3A_201, %dot_general3A_202 {dimension_numbers = #tpu.dot_dimension_numbers<[0], [0], [1], [1], [0, 1, 1, 1], [], []>, precision = #tpu.contract_precision<fp32>, transpose_lhs_hint = false} : vector<128x384xf32>, vector<128x8xf32>, vector<384x8xf32> -> vector<384x8xf32>
      %get3A_204 = arith.constant 0 : index
      %get3A_205 = arith.constant 0 : index
      %get3A_206 = arith.constant 0 : index
      %get3A_207 = vector.load %arg2[%get3A_204, %get3A_205, %get3A_206] : memref<1x384x8xf32, #tpu.memory_space<vmem>>, vector<1x384x8xf32>
      %get3A_208 = vector.shape_cast %get3A_207 : vector<1x384x8xf32> to vector<384x8xf32>
      %add3A_209 = arith.addf %get3A_208, %dot_general3A_203 : vector<384x8xf32>
      %swap3A_210 = arith.constant 0 : index
      %swap3A_211 = arith.constant 0 : index
      %swap3A_212 = arith.constant 0 : index
      %swap3A_213 = vector.load %arg2[%swap3A_210, %swap3A_211, %swap3A_212] : memref<1x384x8xf32, #tpu.memory_space<vmem>>, vector<1x384x8xf32>
      %swap3A_214 = vector.shape_cast %swap3A_213 : vector<1x384x8xf32> to vector<384x8xf32>
      %swap3A_215 = vector.shape_cast %add3A_209 : vector<384x8xf32> to vector<1x384x8xf32>
      tpu.vector_store %arg2[%swap3A_210, %swap3A_211, %swap3A_212], %swap3A_215 {strides = array<i32>} : memref<1x384x8xf32, #tpu.memory_space<vmem>>, vector<1x384x8xf32>,
      %reduce_sum3A_216 = vector.shape_cast %while3A_119#0 : vector<128x1xf32> to vector<1x128x1xf32>
      %reduce_sum3A_217 = arith.constant dense<0.000000e+00> : vector<1xf32>
      %reduce_sum3A_218 = vector.multi_reduction <add>, %reduce_sum3A_216, %reduce_sum3A_217 [1, 2] : vector<1x128x1xf32> to vector<1xf32>
      %reduce_sum3A_219 = vector.shape_cast %reduce_sum3A_218 : vector<1xf32> to vector<1x1x1xf32>
      %reduce_sum3A_220 = vector.extract %reduce_sum3A_219[0, 0, 0] : f32 from vector<1x1x1xf32>
      %add3A_221 = arith.addf %scan3A_46, %reduce_sum3A_220 : f32
      scf.yield %add3A_221 : f32
    }
    %scan3A_44 = arith.constant 32 : i32
    return
  }
  func.func @transform_0(%arg0: i32) -> (i32, i32, i32) {
    %c0_i32 = arith.constant 0 : i32
    %c0_i32_0 = arith.constant 0 : i32
    %c0_i32_1 = arith.constant 0 : i32
    return %arg0, %c0_i32, %c0_i32_0 : i32, i32, i32
  }
  func.func @transform_1(%arg0: i32) -> (i32, i32, i32) {
    %c0_i32 = arith.constant 0 : i32
    %c0_i32_0 = arith.constant 0 : i32
    %c0_i32_1 = arith.constant 0 : i32
    return %arg0, %c0_i32, %c0_i32_0 : i32, i32, i32
  }
}

</mosaic_0001>

<sc_bundles>
// kernel: gather_offload_async_start
scs
__scs_entry_jumppad:
0x0: {  	(pc) =	sbr.rel $0x88, $3  }
0x1: {  	(tag) =	ssettag $0x0;
	lr =	simm.s32 $0x1  }
0x2: {  	[smem:$0x3FA0] =	sst lr;
	_ =	strace $0xD0000000  }
0x3: {  	_ = 	snop  }
0x4: {  	_ = 	snop  }
0x5: {  	_ = 	snop  }
0x6: {  	_ = 	snop  }
0x7: {  	_ = 	snop  }
__scs_overlays_trampoline_lowered:
0x8: {  	[smem:$0x3FAF] =	sst s0  }
0x9: {  	[smem:$0x3FB0] =	sst s1  }
0xa: {  	[smem:$0x3FB1] =	sst s2  }
0xb: {  	[smem:$0x3FB2] =	sst s3  }
0xc: {  	[smem:$0x3FB3] =	sst s4  }
0xd: {  	[smem:$0x3FB4] =	sst s5  }
0xe: {  	[smem:$0x3FB5] =	sst s6  }
0xf: {  	[smem:$0x3FB6] =	sst s7  }
0x10: {  	[smem:$0x3FB7] =	sst s8  }
0x11: {  	[smem:$0x3FB8] =	sst s9;
	s0 =	simm.s32 @!p0 $0x0  }
0x12: {  	s1 =	sld [smem:$0x3F9E];
	s0 =	simm.s32 @p0 $0x1  }
0x13: {  	[smem:$0x3FB9] =	sst s0;
	s0 =	simm.s32 @!p1 $0x0  }
0x14: {  	s2 =	sld [smem:$0x3F9D];
	s0 =	simm.s32 @p1 $0x1  }
0x15: {  	[smem:$0x3FBA] =	sst s0;
	s0 =	simm.s32 @!p2 $0x0  }
0x16: {  	s3 =	sld [smem:$0x3FDB];
	s0 =	simm.s32 @p2 $0x1  }
0x17: {  	s4 =	simm.s32 $0x1BF5;
	[smem:$0x3FBC] =	sst s0  }
0x18: {  	s0 =	sld [smem:$0x3F9F];
	_ =	swait.ge [sflag:s4], $0x0  }
0x19: {  	s7 =	sld [smem:$0x3FA0]  }
0x1a: {  	s8 =	sadd.s32 $0xFFFFE003, lr  }
0x1b: {  	s9 =	sadd.s32 $0xFFFFFEF7, lr;
	s5 =	simm.s32 $0xFFFFFFFF;
	p2 =	slt.u32 s8, $0xFFFFF086  }
0x1c: {  	p1 =	slt.u32 s9, $0xF7A;
	s5 =	simm.s32 @!p2 $0x0  }
0x1d: {  	s5 =	simm.s32 @p1 $0x1;
	p0 =	seq.s32 s7, s2  }
0x1e: {  	s7 =	smul.u32 @!p0 $0xF7A, s2;
	p2 =	seq.s32 @!p0 s5, $0x0  }
0x1f: {  	s9 =	smul.u32 $0xF7A, s1;
	s8 =	simm.s32 @!p0 $0x1BF5;
	p2 =	por !p2, p0  }
0x20: {  	[sflag:s8] =	ssyncset.s32 @!p0 $0xFFFFF086;
	s6 =	sadd.s32 @!p0 s3, s7;
	s7 =	simm.s32 @!p0 $0x108  }
0x21: {  	s3 =	sadd.s32 s3, s9;
	s6 =	sadd.s32 @!p0 $0x88, s6;
	s7 =	simm.s32 @p2 $0x1082  }
0x22: {  	[simem:s7], [sflag:s8] =	dma.local @!p0 [hbm:s6], $0xF7A  }
0x23: {  	s9 =	sor.u32 $0xD0000000, s2;
	s6 =	simm.s32 $0x108;
	_ =	swait.ge @!p0 [sflag:s8], $0x0  }
0x24: {  	s3 =	sadd.s32 $0x88, s3;
	s6 =	simm.s32 @!p1 $0x1082;
	[sflag:s4] =	ssyncset.s32 $0xFFFFF086  }
0x25: {  	[simem:s6], [sflag:s4] =	dma.local [hbm:s3], $0xF7A  }
0x26: {  	[smem:$0x3FA0] =	sst s1;
	(tag) =	ssettag s2;
	_ =	strace s9  }
0x27: {  	s1 =	sld [smem:$0x3FB0]  }
0x28: {  	s2 =	sld [smem:$0x3FB1]  }
0x29: {  	s4 =	sld [smem:$0x3FB3]  }
0x2a: {  	p0 =	seq.s32 s5, $0x0;
	s5 =	sld [smem:$0x3FB4]  }
0x2b: {  	s6 =	sld [smem:$0x3FB5]  }
0x2c: {  	s7 =	sld [smem:$0x3FB6]  }
0x2d: {  	s3 =	simm.s32 $0x108;
	s8 =	sld [smem:$0x3FB7]  }
0x2e: {  	s3 =	simm.s32 @!p0 $0x1082;
	s9 =	sld [smem:$0x3FB8]  }
0x2f: {  	lr =	sadd.s32 s0, s3;
	s0 =	sld [smem:$0x3FAF]  }
0x30: {  	s3 =	sld [smem:$0x3FB2]  }
0x31: {  	[smem:$0x3FBB] =	sst s10  }
0x32: {  	s10 =	sld [smem:$0x3FB9];
	_ =	sdelay $0x3  }
0x33: {  	p0 =	seq.s32 s10, $0x1;
	s10 =	sld [smem:$0x3FBB];
	_ =	sdelay $0x3  }
0x34: {  	[smem:$0x3FBB] =	sst s10  }
0x35: {  	s10 =	sld [smem:$0x3FBA];
	_ =	sdelay $0x3  }
0x36: {  	p1 =	seq.s32 s10, $0x1;
	s10 =	sld [smem:$0x3FBB];
	_ =	sdelay $0x3  }
0x37: {  	[smem:$0x3FBB] =	sst s10  }
0x38: {  	s10 =	sld [smem:$0x3FBC]  }
0x39: {  	_ = 	snop;
	(pc) =	sbr.ind lr, $3  }
0x3a: {  	_ = 	snop  }
0x3b: {  	_ = 	snop  }
0x3c: {  	p2 =	seq.s32 s10, $0x1;
	s10 =	sld [smem:$0x3FBB]  }
0x3d: {  	_ =	shalt  }
0x3e: {  	_ =	shalt  }
0x3f: {  	_ =	shalt  }
0x40: {  	_ =	shalt  }
0x41: {  	_ =	shalt  }
0x42: {  	_ =	shalt  }
0x43: {  	_ =	shalt  }
0x44: {  	_ =	shalt  }
0x45: {  	_ =	shalt  }
0x46: {  	_ =	shalt  }
0x47: {  	_ =	shalt  }
0x48: {  	_ =	shalt  }
0x49: {  	_ =	shalt  }
0x4a: {  	_ =	shalt  }
0x4b: {  	_ =	shalt  }
0x4c: {  	_ =	shalt  }
0x4d: {  	_ =	shalt  }
0x4e: {  	_ =	shalt  }
0x4f: {  	_ =	shalt  }
0x50: {  	_ =	shalt  }
0x51: {  	_ =	shalt  }
0x52: {  	_ =	shalt  }
0x53: {  	_ =	shalt  }
0x54: {  	_ =	shalt  }
0x55: {  	_ =	shalt  }
0x56: {  	_ =	shalt  }
0x57: {  	_ =	shalt  }
0x58: {  	_ =	shalt  }
0x59: {  	_ =	shalt  }
0x5a: {  	_ =	shalt  }
0x5b: {  	_ =	shalt  }
0x5c: {  	_ =	shalt  }
0x5d: {  	_ =	shalt  }
0x5e: {  	_ =	shalt  }
0x5f: {  	_ =	shalt  }
0x60: {  	_ =	shalt  }
0x61: {  	_ =	shalt  }
0x62: {  	_ =	shalt  }
0x63: {  	_ =	shalt  }
0x64: {  	_ =	shalt  }
0x65: {  	_ =	shalt  }
0x66: {  	_ =	shalt  }
0x67: {  	_ =	shalt  }
0x68: {  	_ =	shalt  }
0x69: {  	_ =	shalt  }
0x6a: {  	_ =	shalt  }
0x6b: {  	_ =	shalt  }
0x6c: {  	_ =	shalt  }
0x6d: {  	_ =	shalt  }
0x6e: {  	_ =	shalt  }
0x6f: {  	_ =	shalt  }
0x70: {  	_ =	shalt  }
0x71: {  	_ =	shalt  }
0x72: {  	_ =	shalt  }
0x73: {  	_ =	shalt  }
0x74: {  	_ =	shalt  }
0x75: {  	_ =	shalt  }
0x76: {  	_ =	shalt  }
0x77: {  	_ =	shalt  }
0x78: {  	_ =	shalt  }
0x79: {  	_ =	shalt  }
0x7a: {  	_ =	shalt  }
0x7b: {  	_ =	shalt  }
0x7c: {  	_ =	shalt  }
0x7d: {  	_ =	shalt  }
0x7e: {  	_ =	shalt  }
0x7f: {  	_ =	shalt  }
0x80: {  	_ =	shalt  }
0x81: {  	_ =	shalt  }
0x82: {  	_ =	shalt  }
0x83: {  	_ =	shalt  }
0x84: {  	_ =	shalt  }
0x85: {  	_ =	shalt  }
0x86: {  	_ =	shalt  }
0x87: {  	_ =	shalt  }
.Lfunc_end0:
.L_simem_size_0:
called_computation_lowered:
.L_overlay_start_0:
0x88: {  	s2 =	sld [smem:$0x3FD9]  }
0x89: {  	s3 =	sld [smem:$0x3FFE];
	_ =	sdelay $0x1  }
0x8a: {  	s1 =	srdreg.scid  }
0x8b: {  	s0 =	sand.u32 $0x1, s1  }
0x8c: {  	s16 =	sshll.u32 s0, $0xA;
	s2 =	sadd.s32 s3, s2  }
0x8d: {  	s2 =	sadd.s32 s2, s16  }
0x8e: {  	[smem:$0x3FC7] =	sst s2  }
0x8f: {  	_ = 	snop  }
0x90: {  	(tm) =	ssettm $0x1  }
0x91: {  	s17 =	sld [smem:$0x3FFB];
	_ =	sdelay $0x3  }
0x92: {  	_ =	strace s17  }
0x93: {  	s2 =	sld [smem:$0x3FFC];
	_ =	sdelay $0x3  }
0x94: {  	_ =	strace s2  }
0x95: {  	s2 =	sld [smem:$0x3FFD];
	_ =	sdelay $0x3  }
0x96: {  	_ =	strace s2  }
0x97: {  	_ =	strace $0x8FFFFFFF  }
0x98: {  	s18 =	sld [smem:$0x3FDB];
	_ =	sdelay $0x1  }
0x99: {  	s19 =	simm.s32 $_scs_section_size  }
0x9a: {  	s4 =	simm.s32 $_size__tile_overlayer_lowered;
	s5 =	simm.s32 $_tile_overlayer_lowered  }
0x9b: {  	s22 =	simm.s32 $0x1BFF;
	s21 =	sshll.u32 s5, $0x1;
	s2 =	sadd.s32 s19, s18  }
0x9c: {  	s6 =	simm.s32 $0x0;
	s20 =	sshll.u32 s4, $0x1;
	s4 =	sadd.s32 s21, s2  }
0x9d: {  	[timem:s6], [sflag:s22] =	dma.local [hbm:s4], s20  }
0x9e: {  	_ =	swait.ge [sflag:s22], s20  }
0x9f: {  	s3 =	ssub.s32 $0x0, s20;
	[sflag:s22] =	ssyncset.done $0x0  }
0xa0: {  	[sflag:s22] =	ssyncadd.s32 s3;
	_ =	sdelay $0x1  }
0xa1: {  	s23 =	simm.s32 $0x1B8B  }
0xa2: {  	_ =	swait.ge [sflag:s23], $0x1  }
0xa3: {  	[sflag:s23] =	ssyncset.done $0x0  }
0xa4: {  	s25 =	simm.s32 $0x1B8E;
	s24 =	sld [smem:$0x3FFE];
	[sflag:s23] =	ssyncadd.s32 $0xFFFFFFFF  }
0xa5: {  	s26 =	simm.s32 $execute0_lowered;
	[smem:$0x3FD2] =	sst s25  }
0xa6: {  	s4 =	sshll.u32 s26, $0x1;
	_ =	strace $0x80000046;
	[dreg:$0x1] =	wrdreg $0xFFFFFFFF  }
0xa7: {  	s28 =	simm.s32 $_size_execute0_lowered;
	s2 =	sadd.s32 s2, s4;
	[dreg:$0x0] =	wrdreg $0x0  }
0xa8: {  	s4 =	sshll.u32 s28, $0x1;
	[dreg:$0x2] =	wrdreg s2  }
0xa9: {  	[dreg:$0x3] =	wrdreg s4  }
0xaa: {  	[dreg:$0x4] =	wrdreg $0xC0  }
0xab: {  	_ =	task [dreg:s6], $0x5FFFF  }
0xac: {  	[dreg:$0x1] =	wrdreg $0xFFFFFFFF  }
0xad: {  	[dreg:$0x0] =	wrdreg $0x60  }
0xae: {  	[dreg:$0x2] =	wrdreg s24  }
0xaf: {  	[dreg:$0x3] =	wrdreg $0x9  }
0xb0: {  	_ =	task.clear_ibuf [dreg:s6], $0x4FFFF;
	_ =	strace $0x90000046  }
0xb1: {  	s29 =	simm.s32 $0x9;
	_ =	strace $0x80000048  }
0xb2: {  	_ =	swait.ge [sflag:s29], $0x1  }
0xb3: {  	[sflag:s29] =	ssyncadd.s32 $0xFFFFFFFF  }
0xb4: {  	_ =	strace $0x90000048  }
0xb5: {  	_ =	sfence  }
0xb6: {  	s30 =	sld [smem:$0x0];
	_ =	sdelay $0x2  }
0xb7: {  	s31 =	sshll.u32 s1, $0xD;
	s1 =	sshrl.u32 s1, $0x2  }
0xb8: {  	s3 =	sand.u32 $0x4000, s31;
	s1 =	sadd.s32 s1, s30  }
0xb9: {  	s0 =	sor.u32 s3, s0;
	s1 =	sshll.u32 s1, $0x11  }
0xba: {  	s0 =	sor.u32 s1, s0  }
0xbb: {  	s0 =	sadd.s32 $0x8F2B, s0  }
0xbc: {  	[sflag:s0] =	ssyncadd.remote.s32 $0x1  }
0xbd: {  	_ =	sfence.sel $0xFFFF  }
0xbe: {  	[dreg:$0x0] =	wrdreg $0xFFFFFFFF;
	(pc) =	sbr.abs _section_cstart, $3  }
0xbf: {  	[dreg:$0x1] =	wrdreg $0xFFFFFFFF  }
0xc0: {  	_ =	task.clear_ibuf [dreg:s6], $0x2FFFF;
	_ =	strace $0x9FFFFFFF  }
0xc1: {  	(tm) =	ssettm $0x7FFFFFFF  }
tec
execute0_lowered:
.L_overlay_start_1:
0x0: {  	(tag) =	ssettag $0x1  }
0x1: {  	s2 =	rddreg [dreg:$0x0]  }
0x2: {  	s0 =	rddreg [dreg:$0x1]  }
0x3: {  	s1 =	srdreg.scid;
	_ =	strace $0x80000047;
	s4 =	simm.s32 $0x1  }
0x4: {  	s9 =	simm.s32 $0x3;
	s11 =	simm.s32 $0x0;
	s5 =	sshll.u32 s1, $0x4  }
.Ltmp0:
0x5: {  	s1 =	stileid.u32;
	s5 =	sand.u32 $0x10, s5;
	(pc) =	sbr.rel .LBB2_1-.Ltmp0, $4  }
0x6: {  	p0 =	por $0x0, $0x0;
	s3 =	sadd.s32 $0x3A9800, s2;
	s6 =	sor.u32 s1, s5  }
0x7: {  	[sflag:s4] =	ssyncpa.u1 $0x0;
	s5 =	simm.s32 $0x2;
	s6 =	sshll.u32 s6, $0x9  }
0x8: {  	s7 =	sadd.s32 $0x800, s2;
	[sflag:s5] =	ssyncpa.u1 $0x0;
	s8 =	sadd.s32 $0x200, s6  }
0x9: {  	vm0 =	vmmov $0xff;
	vm1 =	vcmask $0x3F20;
	[sflag:s9] =	ssyncpa.u1 $0x0;
	s10 =	smov.u32 s6;
	s9 =	simm.s32 $0x0  }
.LBB2_7:
0xa: {  	p1 =	slt.u32 s9, $0x2;
	s11 =	sadd.s32 $0x100, s10  }
0xb: {  	s13 =	smov.u32 s6;
	s9 =	sadd.s32 $0x1, s9;
	p2 =	slt.s32 s11, s8  }
0xc: {  	s13 =	smov.u32 @p2 s11;
	p2 =	sne.s32 s9, $0x4  }
.Ltmp1:
0xd: {  	_ = 	snop;
	(pc) =	sbr.rel @!p2 .LBB2_8-.Ltmp1, $4  }
0xe: {  	s12 =	simm.s32 @!p1 $0x3  }
0xf: {  	_ =	swait.ge @!p1 [sflag:s12], $0x8000  }
0x10: {  	p0 =	por !p0, !p0;
	[sflag:s12] =	ssyncset.done @!p1 $0x0  }
0x11: {  	s11 =	smov.u32 s10;
	s10 =	smov.u32 s13;
	[sflag:s12] =	ssyncadd.s32 @!p1 $0xFFFF8000  }
.LBB2_1:
0x12: {  	p1 =	sgt.u32 s9, $0x1  }
0x13: {  	s12 =	sshll.u32 @!p1 s9, $0x8;
	s13 =	sshrl.u32 @!p1 s10, $0x3  }
0x14: {  	s14 =	sand.u32 @!p1 $0x7, s10;
	s12 =	sxor.u32 @!p1 $0x100, s12;
	s13 =	sadd.s32 @!p1 s2, s13  }
0x15: {  	[tilespmem:s12], [sflag:$0x2] =	stream.linear.gather @!p1 [hbm4b:s13+s14], $0x100, $0x38;
	[tilespmem:$0x10200] =	vst v63  }
0x16: {  	p1 =	seq.s32 s9, $0x0  }
0x17: {  	p2 =	seq.s32 @!p1 s9, $0x3  }
0x18: {  	p1 =	por p1, p2  }
.Ltmp2:
0x19: {  	_ = 	snop;
	(pc) =	sbr.rel @p1 .LBB2_7-.Ltmp2, $1  }
0x1a: {  	_ =	sdelay $0x3  }
0x1b: {  	s12 =	simm.s32 $0x1  }
0x1c: {  	_ =	swait.ge [sflag:s5], $0x100;
	s12 =	simm.s32 @!p0 $0x0  }
0x1d: {  	[sflag:s5] =	ssyncset.done $0x0;
	s14 =	sshll.u32 s12, $0x8  }
0x1e: {  	[sflag:s5] =	ssyncadd.s32 $0xFFFFFF00;
	s13 =	sadd.s32 $0x0, s14  }
0x1f: {  	v0 =	vld.msk [tilespmem:s13+$0x0 ss:$0x1], $0xffff;
	_ =	sdelay $0x4  }
0x20: {  	v1 =	vand.u32 $0x3, v0;
	v2 =	vshll.u32 v0, $0x5  }
0x21: {  	vm2 =	veq.s32 v0, $0x80000000;
	v0 =	vmul.u32 $0x271000, v1;
	v1 =	vand.u32 $0x3FFF80, v2  }
0x22: {  	v1 =	vsel vm2, $0xFFFFFF80, v1  }
0x23: {  	v0 =	vsel vm2, $0xFFD8F000, v0;
	v2 =	vand.u32 $0xFFFFFC00, v1  }
0x24: {  	v1 =	vand.u32 $0x380, v1;
	v0 =	vadd.s32 v0, v2  }
0x25: {  	v0 =	vor.u32 v1, v0  }
0x26: {  	v0 =	vshrl.u32 v0, $0x3;
	_ =	sdelay $0x2  }
0x27: {  	s12 =	sshll.u32 s12, $0xF  }
0x28: {  	s12 =	sor.u32 $0x200, s12  }
0x29: {  	[tilespmem:s12], [sflag:$0x1] =	stream.indirect_vreg.gather [hbm:s3], $0x80, v0, vm0, $0x38;
	[tilespmem:$0x10200] =	vst v63  }
0x2a: {  	s15 =	sadd.s32 $0x10, s14;
	s13 =	sadd.s32 $0x400, s12  }
0x2b: {  	[tilespmem:s13], [sflag:$0x1] =	stream.indirect_vreg.gather [hbm:s3], $0x80, v0, vm1, $0x38;
	[tilespmem:$0x10200] =	vst v63  }
0x2c: {  	s16 =	simm.s32 $0x80;
	v0 =	vld.msk [tilespmem:s15+$0x0 ss:$0x1], $0xffff;
	s15 =	smov.u32 s12  }
.LBB2_3:
0x2d: {  	p1 =	sne.s32 s16, $0x3C0;
	_ =	sdelay $0x4  }
0x2e: {  	v1 =	vand.u32 $0x3, v0;
	v2 =	vshll.u32 v0, $0x5  }
0x2f: {  	vm2 =	veq.s32 v0, $0x80000000;
	v0 =	vmul.u32 $0x271000, v1;
	v1 =	vand.u32 $0x3FFF80, v2  }
0x30: {  	v1 =	vsel vm2, $0xFFFFFF80, v1  }
0x31: {  	v0 =	vsel vm2, $0xFFD8F000, v0;
	v2 =	vand.u32 $0xFFFFFC00, v1  }
0x32: {  	v1 =	vand.u32 $0x380, v1;
	v0 =	vadd.s32 v0, v2  }
0x33: {  	v0 =	vor.u32 v1, v0  }
0x34: {  	v0 =	vshrl.u32 v0, $0x3;
	_ =	sdelay $0x3  }
.Ltmp3:
0x35: {  	s17 =	sshra.s32 s16, $0x2;
	s15 =	sadd.s32 $0x800, s15;
	(pc) =	sbr.rel @p1 .LBB2_3-.Ltmp3, $4  }
0x36: {  	[tilespmem:s15], [sflag:$0x1] =	stream.indirect_vreg.gather [hbm:s3], $0x80, v0, vm0, $0x38;
	[tilespmem:$0x10200] =	vst v63  }
0x37: {  	s17 =	sadd.s32 s17, s14;
	s18 =	sadd.s32 $0x400, s15  }
0x38: {  	[tilespmem:s18], [sflag:$0x1] =	stream.indirect_vreg.gather [hbm:s3], $0x80, v0, vm1, $0x38;
	[tilespmem:$0x10200] =	vst v63  }
0x39: {  	s16 =	sadd.s32 $0x40, s16;
	v0 =	vld.msk [tilespmem:s17+$0x0 ss:$0x1], $0xffff  }
0x3a: {  	_ =	sdelay $0x3  }
0x3b: {  	v1 =	vand.u32 $0x3, v0;
	v2 =	vshll.u32 v0, $0x5  }
0x3c: {  	vm2 =	veq.s32 v0, $0x80000000;
	v61 =	vmul.u32 $0x271000, v1;
	v62 =	vand.u32 $0x3FFF80, v2  }
0x3d: {  	v1 =	vsel vm2, $0xFFFFFF80, v62  }
0x3e: {  	v0 =	vsel vm2, $0xFFD8F000, v61;
	v63 =	vand.u32 $0xFFFFFC00, v1  }
0x3f: {  	v1 =	vand.u32 $0x380, v1;
	v0 =	vadd.s32 v0, v63  }
0x40: {  	v0 =	vor.u32 v1, v0  }
0x41: {  	v0 =	vshrl.u32 v0, $0x3;
	_ =	sdelay $0x3  }
0x42: {  	s14 =	sadd.s32 $0x800, s15  }
0x43: {  	[tilespmem:s14], [sflag:$0x1] =	stream.indirect_vreg.gather [hbm:s3], $0x80, v0, vm0, $0x38;
	[tilespmem:$0x10200] =	vst v63  }
0x44: {  	s14 =	sadd.s32 $0x400, s14  }
0x45: {  	[tilespmem:s14], [sflag:$0x1] =	stream.indirect_vreg.gather [hbm:s3], $0x80, v0, vm1, $0x38;
	[tilespmem:$0x10200] =	vst v63  }
0x46: {  	s11 =	sshll.u32 s11, $0x4;
	_ =	swait.ge [sflag:s4], $0x8000  }
0x47: {  	s11 =	sadd.s32 s11, s7;
	[sflag:s4] =	ssyncset.done $0x0  }
0x48: {  	s15 =	sadd.s32 $0x0, s11;
	s14 =	simm.s32 $0x80;
	[sflag:s4] =	ssyncadd.s32 $0xFFFF8000  }
.LBB2_5:
0x49: {  	[hbm:s15] =	stream.linear.scatter [tilespmem:s12], [sflag:$0x3], $0x400, $0x38;
	[tilespmem:$0x10200] =	vst v63  }
0x4a: {  	s15 =	smov.u32 s14;
	s12 =	smov.u32 s13;
	p1 =	sne.s32 s14, $0xF80  }
.Ltmp4:
0x4b: {  	s14 =	sadd.s32 $0x80, s14;
	(pc) =	sbr.rel @p1 .LBB2_5-.Ltmp4, $2  }
0x4c: {  	_ =	sdelay $0x2  }
0x4d: {  	s13 =	sadd.s32 $0x400, s13;
	s15 =	sadd.s32 s15, s11  }
.Ltmp5:
0x4e: {  	(pc) =	sbr.rel .LBB2_7-.Ltmp5, $2  }
0x4f: {  	_ =	sdelay $0x2  }
0x50: {  	[hbm:s15] =	stream.linear.scatter [tilespmem:s12], [sflag:$0x3], $0x400, $0x38;
	[tilespmem:$0x10200] =	vst v63  }
.LBB2_8:
0x51: {  	_ =	sfence.sel $0x180000  }
0x52: {  	s2 =	simm.s32 $0x2;
	[bflag:$0x0] =	sbarrier.arrive $0xFFFF  }
0x53: {  	s30 =	simm.s32 $0x3;
	[sflag:s2] =	ssyncpa.u1 $0x1  }
0x54: {  	s31 =	simm.s32 $0x1;
	[sflag:s30] =	ssyncpa.u1 $0x1  }
0x55: {  	[sflag:s31] =	ssyncpa.u1 $0x1  }
0x56: {  	p0 =	sne.s32 s1, $0x0;
	_ =	strace $0x90000047  }
0x57: {  	s0 =	sadd.s32 @!p0 $0x100000, s0;
	[bflag:$0x2] =	sbarrier.arrive $0xFFFF  }
0x58: {  	[sflag:s0] =	ssyncadd.tile.s32 @!p0 $0x1;
	_ =	shalt  }
.Lfunc_end2:
_tile_overlayer_lowered:
.L_overlay_start_2:
0x59: {  	(tag) =	ssettag $0x2  }
0x5a: {  	s0 =	rddreg [dreg:$0x0];
	s2 =	stileid.u32  }
0x5b: {  	s1 =	rddreg [dreg:$0x1];
	p0 =	sne.s32 s2, $0x0  }
0x5c: {  	s3 =	rddreg [dreg:$0x2];
	[bflag:$0x3] =	sbarrier.arrive $0xFFFF;
	s2 =	simm.s32 @!p0 $0x1C01  }
0x5d: {  	[timem:s3], [sflag:s2] =	dma.local @!p0 [hbm:s0], s1  }
0x5e: {  	s0 =	simm.s32 @!p0 $0x1  }
0x5f: {  	_ =	swait.ge @!p0 [sflag:s0], s1  }
0x60: {  	s1 =	ssub.s32 @!p0 $0x0, s1;
	[sflag:s0] =	ssyncset.done @!p0 $0x0  }
0x61: {  	[sflag:s0] =	ssyncadd.s32 @!p0 s1  }
0x62: {  	[bflag:$0x3] =	sbarrier.arrive $0xFFFF  }
0x63: {  	_ =	shalt  }

</sc_bundles>
